<compile_context>
chip_gen: v7x
topology: tpu7x:2x2x1
jax: 0.10.2.dev20260603
libtpu: 0.0.44.dev20260713+nightly
codegen_flags: <defaults>
</compile_context>

<pallas_src>
import functools

import jax
import jax.numpy as jnp
from jax import lax
from jax.experimental import pallas as pl
from jax.experimental.pallas import tpu as pltpu
from jax.experimental.pallas import tpu_sc as plsc

_TOTAL_NODES = 16384
_TOTAL_EDGES = 524288
_N = 10000
_E = 320000
_D = 128

_NW = 32
_CW = 25
_CR = _N // _CW
_CCH = 2
_CCR = _CR // _CCH
_ZW = _NW - _CW
_ZR = (_TOTAL_NODES - _N) // _ZW
_ZCH = 6
_ZCR = _ZR // _ZCH

_mesh = plsc.VectorSubcoreMesh(core_axis_name="c", subcore_axis_name="s")


@functools.partial(
    pl.kernel,
    mesh=_mesh,
    out_type=jax.ShapeDtypeStruct((_TOTAL_NODES, _D), jnp.float32),
    scratch_types=[
        pltpu.VMEM((_CR, _D), jnp.float32),
        pltpu.VMEM((_ZCR, _D), jnp.float32),
        pltpu.SemaphoreType.DMA,
        pltpu.SemaphoreType.DMA,
        pltpu.SemaphoreType.DMA,
    ],
)
def _pad_x_sc(x_hbm, xp_hbm, xbuf, zbuf, s0, s1, so):
    wid = lax.axis_index("s") * 2 + lax.axis_index("c")
    sems = [s0, s1]

    @pl.when(wid < _CW)
    def _copy():
        base = wid * _CR
        ins = [
            pltpu.async_copy(
                x_hbm.at[pl.ds(base + k * _CCR, _CCR)],
                xbuf.at[pl.ds(k * _CCR, _CCR)], sems[k])
            for k in range(_CCH)
        ]
        outs = []
        for k in range(_CCH):
            ins[k].wait()
            outs.append(pltpu.async_copy(
                xbuf.at[pl.ds(k * _CCR, _CCR)],
                xp_hbm.at[pl.ds(base + k * _CCR, _CCR)], so))
        for cp in outs:
            cp.wait()

    @pl.when(wid >= _CW)
    def _zero():
        zero16 = jnp.zeros((16,), jnp.float32)

        def fill_row(r, c):
            for j in range(_D // 16):
                zbuf[r, pl.ds(j * 16, 16)] = zero16
            return c
        lax.fori_loop(0, _ZCR, fill_row, 0)

        r0 = _N + (wid - _CW) * _ZR
        outs = [
            pltpu.async_copy(
                zbuf, xp_hbm.at[pl.ds(r0 + k * _ZCR, _ZCR)], so)
            for k in range(_ZCH)
        ]
        for cp in outs:
            cp.wait()



def _edge_tc(e_ref, ep_ref, nm_ref, em_ref, ns_ref, es_ref):
    ep_ref[:, :_E] = e_ref[...]
    ep_ref[:, _E:] = jnp.full((2, _TOTAL_EDGES - _E), _N, jnp.int32)
    nm_ref[...] = lax.broadcasted_iota(jnp.int32, (_TOTAL_NODES,), 0) < _N
    em_ref[...] = lax.broadcasted_iota(jnp.int32, (_TOTAL_EDGES,), 0) < _E
    ns_ref[0] = _N
    ns_ref[1] = _TOTAL_NODES - _N
    es_ref[0] = _E
    es_ref[1] = _TOTAL_EDGES - _E


_edge_call = pl.pallas_call(
    _edge_tc,
    out_shape=(
        jax.ShapeDtypeStruct((2, _TOTAL_EDGES), jnp.int32),
        jax.ShapeDtypeStruct((_TOTAL_NODES,), jnp.bool_),
        jax.ShapeDtypeStruct((_TOTAL_EDGES,), jnp.bool_),
        jax.ShapeDtypeStruct((2,), jnp.int32),
        jax.ShapeDtypeStruct((2,), jnp.int32),
    ),
    out_specs=(
        pl.BlockSpec(memory_space=pltpu.VMEM),
        pl.BlockSpec(memory_space=pltpu.VMEM),
        pl.BlockSpec(memory_space=pltpu.VMEM),
        pl.BlockSpec(memory_space=pltpu.SMEM),
        pl.BlockSpec(memory_space=pltpu.SMEM),
    ),
    in_specs=[pl.BlockSpec(memory_space=pltpu.VMEM)],
)


def kernel(x, edge_index):
    ei = edge_index.astype(jnp.int32)
    x_padded = _pad_x_sc(x)
    ep, node_mask, edge_mask, node_sizes, edge_sizes = _edge_call(ei)
    edge_index_padded = ep.astype(edge_index.dtype)
    return (x_padded, edge_index_padded, node_mask, edge_mask,
            node_sizes, edge_sizes)

# --- scband reference (transcript-rebuilt; emitter-appended) ---
"""Pipeline reference for scband-pad-to-total-sizes-35304631173216 (READ-ONLY COPY).

The authoritative reference and input builder live on the scoring server;
editing this copy changes nothing except your own understanding.
"""

import jax, jax.numpy as jnp
import numpy as np

# Size constraints (from init_kwargs sizes_constraints)
TOTAL_NUM_NODES = 16384
TOTAL_NUM_EDGES = 524288

N_NODES = 10000
N_EDGES = 320000
D_FEAT = 128


def setup_inputs(seed: int = 0) -> dict:
    key = jax.random.key(seed)
    k1, k2 = jax.random.split(key)
    x = jax.random.normal(k1, (N_NODES, D_FEAT), dtype=jnp.float32)
    edge_index = jax.random.randint(k2, (2, N_EDGES), 0, N_NODES, dtype=jnp.int64)
    return {"x": x, "edge_index": edge_index}


def reference(x, edge_index):
    """Faithful jax translation of tfgnn.pad_to_total_sizes applied to a
    homogeneous GraphTensor with one node set and one edge set.

    - Node features are padded with zeros up to TOTAL_NUM_NODES.
    - Edge endpoints of padding edges point at the first padding node
      (index == actual num_nodes), matching tfgnn's convention that padding
      edges connect padding nodes.
    - Boolean validity masks for nodes and edges are returned (the analogue
      of tfgnn's padding mask / sizes bookkeeping).
    """
    n = x.shape[0]
    e = edge_index.shape[1]
    d = x.shape[1]

    num_pad_nodes = TOTAL_NUM_NODES - n
    num_pad_edges = TOTAL_NUM_EDGES - e

    # Pad node features with zeros (default padding value).
    x_padded = jnp.concatenate(
        [x, jnp.zeros((num_pad_nodes, d), dtype=x.dtype)], axis=0
    )

    # Padding edges point to the first padding node.
    pad_endpoints = jnp.full((2, num_pad_edges), n, dtype=edge_index.dtype)
    edge_index_padded = jnp.concatenate([edge_index, pad_endpoints], axis=1)

    # Validity masks (True for real entries, False for padding).
    node_mask = jnp.arange(TOTAL_NUM_NODES) < n
    edge_mask = jnp.arange(TOTAL_NUM_EDGES) < e

    # Padded sizes per component: [real_component, padding_component].
    node_sizes = jnp.array([n, num_pad_nodes], dtype=jnp.int64)
    edge_sizes = jnp.array([e, num_pad_edges], dtype=jnp.int64)

    return (x_padded, edge_index_padded, node_mask, edge_mask, node_sizes, edge_sizes)

if __name__ == "__main__":
    import jax
    _d = setup_inputs()
    print(jax.jit(kernel)(*tuple(_d.values())))

</pallas_src>

<mosaic_0001>
#map = affine_map<(d0, d1) -> (0, 0)>
module attributes {stable_mosaic.version = 14 : i64} {
  func.func @_pad_x_sc(%arg0: i32, %arg1: i32, %arg2: memref<10000x128xf32, #tpu.memory_space<hbm>>, %arg3: memref<16384x128xf32, #tpu.memory_space<hbm>>, %arg4: memref<400x128xf32, #tpu.memory_space<vmem>>, %arg5: memref<152x128xf32, #tpu.memory_space<vmem>>, %arg6: memref<!tpu.dma_semaphore, #tpu.memory_space<semaphore_mem>>, %arg7: memref<!tpu.dma_semaphore, #tpu.memory_space<semaphore_mem>>, %arg8: memref<!tpu.dma_semaphore, #tpu.memory_space<semaphore_mem>>) attributes {dimension_semantics = [#tpu.dimension_semantics<core_parallel>, #tpu.dimension_semantics<subcore_parallel>], iteration_bounds = array<i64: 2, 16>, scalar_prefetch = 0 : i64, scratch_operands = 5 : i64, tpu.core_type = #tpu.core_type<sc_vector_subcore>, window_params = [{transform_indices = #map}, {transform_indices = #map}]} {
    %mul3A = arith.constant 2 : i32
    %mul3A_0 = arith.muli %arg1, %mul3A : i32
    %add3A = arith.addi %mul3A_0, %arg0 : i32
    %lt3A = arith.constant 25 : i32
    %lt3A_1 = arith.cmpi slt, %add3A, %lt3A : i32
    %convert_element_type3A = arith.extui %lt3A_1 : i1 to i32
    %cond3A = arith.constant 0 : i32
    %cond3A_2 = arith.cmpi ne, %convert_element_type3A, %cond3A : i32
    scf.if %cond3A_2 {
      %mul3A_7 = arith.constant 400 : i32
      %mul3A_8 = arith.muli %add3A, %mul3A_7 : i32
      %add3A_9 = arith.constant 0 : i32
      %add3A_10 = arith.addi %mul3A_8, %add3A_9 : i32
      %dma_start3A = arith.constant 0 : i32
      %dma_start3A_11 = arith.constant 0 : i32
      %dma_start3A_12 = tpu.memref_slice %arg4[%dma_start3A, %dma_start3A_11] : memref<400x128xf32, #tpu.memory_space<vmem>> -> memref<200x128xf32, #tpu.memory_space<vmem>>
      %dma_start3A_13 = arith.constant 0 : i32
      %dma_start3A_14 = tpu.memref_slice %arg2[%add3A_10, %dma_start3A_13] : memref<10000x128xf32, #tpu.memory_space<hbm>> -> memref<200x128xf32, #tpu.memory_space<hbm>>
      %dma_start3A_15 = arith.constant 0 : i32
      %dma_start3A_16 = arith.constant 0 : i32
      %dma_start3A_17 = tpu.memref_slice %arg4[%dma_start3A_15, %dma_start3A_16] : memref<400x128xf32, #tpu.memory_space<vmem>> -> memref<200x128xf32, #tpu.memory_space<vmem>>
      %dma_start3A_18 = arith.constant 0 : i32
      %dma_start3A_19 = tpu.memref_slice %arg2[%add3A_10, %dma_start3A_18] : memref<10000x128xf32, #tpu.memory_space<hbm>> -> memref<200x128xf32, #tpu.memory_space<hbm>>
      tpu.enqueue_dma source(%dma_start3A_19 : memref<200x128xf32, #tpu.memory_space<hbm>>) target(%dma_start3A_17 : memref<200x128xf32, #tpu.memory_space<vmem>>) target_semaphore(%arg6 : memref<!tpu.dma_semaphore, #tpu.memory_space<semaphore_mem>>)
      %add3A_20 = arith.constant 200 : i32
      %add3A_21 = arith.addi %mul3A_8, %add3A_20 : i32
      %dma_start3A_22 = arith.constant 200 : i32
      %dma_start3A_23 = arith.constant 0 : i32
      %dma_start3A_24 = tpu.memref_slice %arg4[%dma_start3A_22, %dma_start3A_23] : memref<400x128xf32, #tpu.memory_space<vmem>> -> memref<200x128xf32, #tpu.memory_space<vmem>>
      %dma_start3A_25 = arith.constant 0 : i32
      %dma_start3A_26 = tpu.memref_slice %arg2[%add3A_21, %dma_start3A_25] : memref<10000x128xf32, #tpu.memory_space<hbm>> -> memref<200x128xf32, #tpu.memory_space<hbm>>
      %dma_start3A_27 = arith.constant 200 : i32
      %dma_start3A_28 = arith.constant 0 : i32
      %dma_start3A_29 = tpu.memref_slice %arg4[%dma_start3A_27, %dma_start3A_28] : memref<400x128xf32, #tpu.memory_space<vmem>> -> memref<200x128xf32, #tpu.memory_space<vmem>>
      %dma_start3A_30 = arith.constant 0 : i32
      %dma_start3A_31 = tpu.memref_slice %arg2[%add3A_21, %dma_start3A_30] : memref<10000x128xf32, #tpu.memory_space<hbm>> -> memref<200x128xf32, #tpu.memory_space<hbm>>
      tpu.enqueue_dma source(%dma_start3A_31 : memref<200x128xf32, #tpu.memory_space<hbm>>) target(%dma_start3A_29 : memref<200x128xf32, #tpu.memory_space<vmem>>) target_semaphore(%arg7 : memref<!tpu.dma_semaphore, #tpu.memory_space<semaphore_mem>>)
      %dma_wait3A = arith.constant 0 : i32
      %dma_wait3A_32 = arith.constant 0 : i32
      %dma_wait3A_33 = tpu.memref_slice %arg4[%dma_wait3A, %dma_wait3A_32] : memref<400x128xf32, #tpu.memory_space<vmem>> -> memref<200x128xf32, #tpu.memory_space<vmem>>
      %dma_wait3A_34 = arith.constant 0 : i32
      %dma_wait3A_35 = tpu.memref_slice %arg2[%add3A_10, %dma_wait3A_34] : memref<10000x128xf32, #tpu.memory_space<hbm>> -> memref<200x128xf32, #tpu.memory_space<hbm>>
      %dma_wait3A_36 = arith.constant 0 : i32
      %dma_wait3A_37 = arith.constant 0 : i32
      %dma_wait3A_38 = tpu.memref_slice %arg4[%dma_wait3A_36, %dma_wait3A_37] : memref<400x128xf32, #tpu.memory_space<vmem>> -> memref<200x128xf32, #tpu.memory_space<vmem>>
      %dma_wait3A_39 = arith.constant 0 : i32
      %dma_wait3A_40 = tpu.memref_slice %arg2[%add3A_10, %dma_wait3A_39] : memref<10000x128xf32, #tpu.memory_space<hbm>> -> memref<200x128xf32, #tpu.memory_space<hbm>>
      tpu.wait_dma2 semaphore(%arg6 : memref<!tpu.dma_semaphore, #tpu.memory_space<semaphore_mem>>) src(%dma_wait3A_40 : memref<200x128xf32, #tpu.memory_space<hbm>>) dst(%dma_wait3A_38 : memref<200x128xf32, #tpu.memory_space<vmem>>)
      %add3A_41 = arith.constant 0 : i32
      %add3A_42 = arith.addi %mul3A_8, %add3A_41 : i32
      %dma_start3A_43 = arith.constant 0 : i32
      %dma_start3A_44 = arith.constant 0 : i32
      %dma_start3A_45 = tpu.memref_slice %arg4[%dma_start3A_43, %dma_start3A_44] : memref<400x128xf32, #tpu.memory_space<vmem>> -> memref<200x128xf32, #tpu.memory_space<vmem>>
      %dma_start3A_46 = arith.constant 0 : i32
      %dma_start3A_47 = tpu.memref_slice %arg3[%add3A_42, %dma_start3A_46] : memref<16384x128xf32, #tpu.memory_space<hbm>> -> memref<200x128xf32, #tpu.memory_space<hbm>>
      %dma_start3A_48 = arith.constant 0 : i32
      %dma_start3A_49 = tpu.memref_slice %arg3[%add3A_42, %dma_start3A_48] : memref<16384x128xf32, #tpu.memory_space<hbm>> -> memref<200x128xf32, #tpu.memory_space<hbm>>
      %dma_start3A_50 = arith.constant 0 : i32
      %dma_start3A_51 = arith.constant 0 : i32
      %dma_start3A_52 = tpu.memref_slice %arg4[%dma_start3A_50, %dma_start3A_51] : memref<400x128xf32, #tpu.memory_space<vmem>> -> memref<200x128xf32, #tpu.memory_space<vmem>>
      tpu.enqueue_dma source(%dma_start3A_52 : memref<200x128xf32, #tpu.memory_space<vmem>>) target(%dma_start3A_49 : memref<200x128xf32, #tpu.memory_space<hbm>>) target_semaphore(%arg8 : memref<!tpu.dma_semaphore, #tpu.memory_space<semaphore_mem>>)
      %dma_wait3A_53 = arith.constant 200 : i32
      %dma_wait3A_54 = arith.constant 0 : i32
      %dma_wait3A_55 = tpu.memref_slice %arg4[%dma_wait3A_53, %dma_wait3A_54] : memref<400x128xf32, #tpu.memory_space<vmem>> -> memref<200x128xf32, #tpu.memory_space<vmem>>
      %dma_wait3A_56 = arith.constant 0 : i32
      %dma_wait3A_57 = tpu.memref_slice %arg2[%add3A_21, %dma_wait3A_56] : memref<10000x128xf32, #tpu.memory_space<hbm>> -> memref<200x128xf32, #tpu.memory_space<hbm>>
      %dma_wait3A_58 = arith.constant 200 : i32
      %dma_wait3A_59 = arith.constant 0 : i32
      %dma_wait3A_60 = tpu.memref_slice %arg4[%dma_wait3A_58, %dma_wait3A_59] : memref<400x128xf32, #tpu.memory_space<vmem>> -> memref<200x128xf32, #tpu.memory_space<vmem>>
      %dma_wait3A_61 = arith.constant 0 : i32
      %dma_wait3A_62 = tpu.memref_slice %arg2[%add3A_21, %dma_wait3A_61] : memref<10000x128xf32, #tpu.memory_space<hbm>> -> memref<200x128xf32, #tpu.memory_space<hbm>>
      tpu.wait_dma2 semaphore(%arg7 : memref<!tpu.dma_semaphore, #tpu.memory_space<semaphore_mem>>) src(%dma_wait3A_62 : memref<200x128xf32, #tpu.memory_space<hbm>>) dst(%dma_wait3A_60 : memref<200x128xf32, #tpu.memory_space<vmem>>)
      %add3A_63 = arith.constant 200 : i32
      %add3A_64 = arith.addi %mul3A_8, %add3A_63 : i32
      %dma_start3A_65 = arith.constant 200 : i32
      %dma_start3A_66 = arith.constant 0 : i32
      %dma_start3A_67 = tpu.memref_slice %arg4[%dma_start3A_65, %dma_start3A_66] : memref<400x128xf32, #tpu.memory_space<vmem>> -> memref<200x128xf32, #tpu.memory_space<vmem>>
      %dma_start3A_68 = arith.constant 0 : i32
      %dma_start3A_69 = tpu.memref_slice %arg3[%add3A_64, %dma_start3A_68] : memref<16384x128xf32, #tpu.memory_space<hbm>> -> memref<200x128xf32, #tpu.memory_space<hbm>>
      %dma_start3A_70 = arith.constant 0 : i32
      %dma_start3A_71 = tpu.memref_slice %arg3[%add3A_64, %dma_start3A_70] : memref<16384x128xf32, #tpu.memory_space<hbm>> -> memref<200x128xf32, #tpu.memory_space<hbm>>
      %dma_start3A_72 = arith.constant 200 : i32
      %dma_start3A_73 = arith.constant 0 : i32
      %dma_start3A_74 = tpu.memref_slice %arg4[%dma_start3A_72, %dma_start3A_73] : memref<400x128xf32, #tpu.memory_space<vmem>> -> memref<200x128xf32, #tpu.memory_space<vmem>>
      tpu.enqueue_dma source(%dma_start3A_74 : memref<200x128xf32, #tpu.memory_space<vmem>>) target(%dma_start3A_71 : memref<200x128xf32, #tpu.memory_space<hbm>>) target_semaphore(%arg8 : memref<!tpu.dma_semaphore, #tpu.memory_space<semaphore_mem>>)
      %dma_wait3A_75 = arith.constant 0 : i32
      %dma_wait3A_76 = arith.constant 0 : i32
      %dma_wait3A_77 = tpu.memref_slice %arg4[%dma_wait3A_75, %dma_wait3A_76] : memref<400x128xf32, #tpu.memory_space<vmem>> -> memref<200x128xf32, #tpu.memory_space<vmem>>
      %dma_wait3A_78 = arith.constant 0 : i32
      %dma_wait3A_79 = tpu.memref_slice %arg3[%add3A_42, %dma_wait3A_78] : memref<16384x128xf32, #tpu.memory_space<hbm>> -> memref<200x128xf32, #tpu.memory_space<hbm>>
      %dma_wait3A_80 = arith.constant 0 : i32
      %dma_wait3A_81 = tpu.memref_slice %arg3[%add3A_42, %dma_wait3A_80] : memref<16384x128xf32, #tpu.memory_space<hbm>> -> memref<200x128xf32, #tpu.memory_space<hbm>>
      %dma_wait3A_82 = arith.constant 0 : i32
      %dma_wait3A_83 = arith.constant 0 : i32
      %dma_wait3A_84 = tpu.memref_slice %arg4[%dma_wait3A_82, %dma_wait3A_83] : memref<400x128xf32, #tpu.memory_space<vmem>> -> memref<200x128xf32, #tpu.memory_space<vmem>>
      tpu.wait_dma2 semaphore(%arg8 : memref<!tpu.dma_semaphore, #tpu.memory_space<semaphore_mem>>) src(%dma_wait3A_84 : memref<200x128xf32, #tpu.memory_space<vmem>>) dst(%dma_wait3A_81 : memref<200x128xf32, #tpu.memory_space<hbm>>)
      %dma_wait3A_85 = arith.constant 200 : i32
      %dma_wait3A_86 = arith.constant 0 : i32
      %dma_wait3A_87 = tpu.memref_slice %arg4[%dma_wait3A_85, %dma_wait3A_86] : memref<400x128xf32, #tpu.memory_space<vmem>> -> memref<200x128xf32, #tpu.memory_space<vmem>>
      %dma_wait3A_88 = arith.constant 0 : i32
      %dma_wait3A_89 = tpu.memref_slice %arg3[%add3A_64, %dma_wait3A_88] : memref<16384x128xf32, #tpu.memory_space<hbm>> -> memref<200x128xf32, #tpu.memory_space<hbm>>
      %dma_wait3A_90 = arith.constant 0 : i32
      %dma_wait3A_91 = tpu.memref_slice %arg3[%add3A_64, %dma_wait3A_90] : memref<16384x128xf32, #tpu.memory_space<hbm>> -> memref<200x128xf32, #tpu.memory_space<hbm>>
      %dma_wait3A_92 = arith.constant 200 : i32
      %dma_wait3A_93 = arith.constant 0 : i32
      %dma_wait3A_94 = tpu.memref_slice %arg4[%dma_wait3A_92, %dma_wait3A_93] : memref<400x128xf32, #tpu.memory_space<vmem>> -> memref<200x128xf32, #tpu.memory_space<vmem>>
      tpu.wait_dma2 semaphore(%arg8 : memref<!tpu.dma_semaphore, #tpu.memory_space<semaphore_mem>>) src(%dma_wait3A_94 : memref<200x128xf32, #tpu.memory_space<vmem>>) dst(%dma_wait3A_91 : memref<200x128xf32, #tpu.memory_space<hbm>>)
    } else {
    }
    %ge3A = arith.constant 25 : i32
    %ge3A_3 = arith.cmpi sge, %add3A, %ge3A : i32
    %convert_element_type3A_4 = arith.extui %ge3A_3 : i1 to i32
    %cond3A_5 = arith.constant 0 : i32
    %cond3A_6 = arith.cmpi ne, %convert_element_type3A_4, %cond3A_5 : i32
    scf.if %cond3A_6 {
      %broadcast_in_dim3A = arith.constant 0.000000e+00 : f32
      %broadcast_in_dim3A_7 = vector.broadcast %broadcast_in_dim3A : f32 to vector<16xf32>
      %scan3A = arith.constant 0 : i32
      %scan3A_8 = arith.constant 0 : i32
      %scan3A_9 = arith.constant 152 : i32
      %scan3A_10 = arith.addi %scan3A_8, %scan3A_9 : i32
      %scan3A_11 = arith.constant 1 : i32
      scf.for %scan3A_76 = %scan3A_8 to %scan3A_10 step %scan3A_11  : i32 {
        %swap3A = arith.index_cast %scan3A_76 : i32 to index
        %swap3A_77 = arith.constant 0 : index
        %swap3A_78 = tpu.vector_load %arg5[%swap3A, %swap3A_77] {strides = array<i32>} : memref<152x128xf32, #tpu.memory_space<vmem>>, vector<1x16xf32>,
        %swap3A_79 = vector.shape_cast %swap3A_78 : vector<1x16xf32> to vector<16xf32>
        %swap3A_80 = vector.shape_cast %broadcast_in_dim3A_7 : vector<16xf32> to vector<1x16xf32>
        tpu.vector_store %arg5[%swap3A, %swap3A_77], %swap3A_80 {strides = array<i32>} : memref<152x128xf32, #tpu.memory_space<vmem>>, vector<1x16xf32>,
        %swap3A_81 = arith.index_cast %scan3A_76 : i32 to index
        %swap3A_82 = arith.constant 16 : index
        %swap3A_83 = tpu.vector_load %arg5[%swap3A_81, %swap3A_82] {strides = array<i32>} : memref<152x128xf32, #tpu.memory_space<vmem>>, vector<1x16xf32>,
        %swap3A_84 = vector.shape_cast %swap3A_83 : vector<1x16xf32> to vector<16xf32>
        %swap3A_85 = vector.shape_cast %broadcast_in_dim3A_7 : vector<16xf32> to vector<1x16xf32>
        tpu.vector_store %arg5[%swap3A_81, %swap3A_82], %swap3A_85 {strides = array<i32>} : memref<152x128xf32, #tpu.memory_space<vmem>>, vector<1x16xf32>,
        %swap3A_86 = arith.index_cast %scan3A_76 : i32 to index
        %swap3A_87 = arith.constant 32 : index
        %swap3A_88 = tpu.vector_load %arg5[%swap3A_86, %swap3A_87] {strides = array<i32>} : memref<152x128xf32, #tpu.memory_space<vmem>>, vector<1x16xf32>,
        %swap3A_89 = vector.shape_cast %swap3A_88 : vector<1x16xf32> to vector<16xf32>
        %swap3A_90 = vector.shape_cast %broadcast_in_dim3A_7 : vector<16xf32> to vector<1x16xf32>
        tpu.vector_store %arg5[%swap3A_86, %swap3A_87], %swap3A_90 {strides = array<i32>} : memref<152x128xf32, #tpu.memory_space<vmem>>, vector<1x16xf32>,
        %swap3A_91 = arith.index_cast %scan3A_76 : i32 to index
        %swap3A_92 = arith.constant 48 : index
        %swap3A_93 = tpu.vector_load %arg5[%swap3A_91, %swap3A_92] {strides = array<i32>} : memref<152x128xf32, #tpu.memory_space<vmem>>, vector<1x16xf32>,
        %swap3A_94 = vector.shape_cast %swap3A_93 : vector<1x16xf32> to vector<16xf32>
        %swap3A_95 = vector.shape_cast %broadcast_in_dim3A_7 : vector<16xf32> to vector<1x16xf32>
        tpu.vector_store %arg5[%swap3A_91, %swap3A_92], %swap3A_95 {strides = array<i32>} : memref<152x128xf32, #tpu.memory_space<vmem>>, vector<1x16xf32>,
        %swap3A_96 = arith.index_cast %scan3A_76 : i32 to index
        %swap3A_97 = arith.constant 64 : index
        %swap3A_98 = tpu.vector_load %arg5[%swap3A_96, %swap3A_97] {strides = array<i32>} : memref<152x128xf32, #tpu.memory_space<vmem>>, vector<1x16xf32>,
        %swap3A_99 = vector.shape_cast %swap3A_98 : vector<1x16xf32> to vector<16xf32>
        %swap3A_100 = vector.shape_cast %broadcast_in_dim3A_7 : vector<16xf32> to vector<1x16xf32>
        tpu.vector_store %arg5[%swap3A_96, %swap3A_97], %swap3A_100 {strides = array<i32>} : memref<152x128xf32, #tpu.memory_space<vmem>>, vector<1x16xf32>,
        %swap3A_101 = arith.index_cast %scan3A_76 : i32 to index
        %swap3A_102 = arith.constant 80 : index
        %swap3A_103 = tpu.vector_load %arg5[%swap3A_101, %swap3A_102] {strides = array<i32>} : memref<152x128xf32, #tpu.memory_space<vmem>>, vector<1x16xf32>,
        %swap3A_104 = vector.shape_cast %swap3A_103 : vector<1x16xf32> to vector<16xf32>
        %swap3A_105 = vector.shape_cast %broadcast_in_dim3A_7 : vector<16xf32> to vector<1x16xf32>
        tpu.vector_store %arg5[%swap3A_101, %swap3A_102], %swap3A_105 {strides = array<i32>} : memref<152x128xf32, #tpu.memory_space<vmem>>, vector<1x16xf32>,
        %swap3A_106 = arith.index_cast %scan3A_76 : i32 to index
        %swap3A_107 = arith.constant 96 : index
        %swap3A_108 = tpu.vector_load %arg5[%swap3A_106, %swap3A_107] {strides = array<i32>} : memref<152x128xf32, #tpu.memory_space<vmem>>, vector<1x16xf32>,
        %swap3A_109 = vector.shape_cast %swap3A_108 : vector<1x16xf32> to vector<16xf32>
        %swap3A_110 = vector.shape_cast %broadcast_in_dim3A_7 : vector<16xf32> to vector<1x16xf32>
        tpu.vector_store %arg5[%swap3A_106, %swap3A_107], %swap3A_110 {strides = array<i32>} : memref<152x128xf32, #tpu.memory_space<vmem>>, vector<1x16xf32>,
        %swap3A_111 = arith.index_cast %scan3A_76 : i32 to index
        %swap3A_112 = arith.constant 112 : index
        %swap3A_113 = tpu.vector_load %arg5[%swap3A_111, %swap3A_112] {strides = array<i32>} : memref<152x128xf32, #tpu.memory_space<vmem>>, vector<1x16xf32>,
        %swap3A_114 = vector.shape_cast %swap3A_113 : vector<1x16xf32> to vector<16xf32>
        %swap3A_115 = vector.shape_cast %broadcast_in_dim3A_7 : vector<16xf32> to vector<1x16xf32>
        tpu.vector_store %arg5[%swap3A_111, %swap3A_112], %swap3A_115 {strides = array<i32>} : memref<152x128xf32, #tpu.memory_space<vmem>>, vector<1x16xf32>,
      }
      %scan3A_12 = arith.constant 152 : i32
      %sub3A = arith.constant 25 : i32
      %sub3A_13 = arith.subi %add3A, %sub3A : i32
      %mul3A_14 = arith.constant 912 : i32
      %mul3A_15 = arith.muli %sub3A_13, %mul3A_14 : i32
      %add3A_16 = arith.constant 10000 : i32
      %add3A_17 = arith.addi %add3A_16, %mul3A_15 : i32
      %add3A_18 = arith.constant 0 : i32
      %add3A_19 = arith.addi %add3A_17, %add3A_18 : i32
      %dma_start3A = arith.constant 0 : i32
      %dma_start3A_20 = tpu.memref_slice %arg3[%add3A_19, %dma_start3A] : memref<16384x128xf32, #tpu.memory_space<hbm>> -> memref<152x128xf32, #tpu.memory_space<hbm>>
      %dma_start3A_21 = arith.constant 0 : i32
      %dma_start3A_22 = tpu.memref_slice %arg3[%add3A_19, %dma_start3A_21] : memref<16384x128xf32, #tpu.memory_space<hbm>> -> memref<152x128xf32, #tpu.memory_space<hbm>>
      tpu.enqueue_dma source(%arg5 : memref<152x128xf32, #tpu.memory_space<vmem>>) target(%dma_start3A_22 : memref<152x128xf32, #tpu.memory_space<hbm>>) target_semaphore(%arg8 : memref<!tpu.dma_semaphore, #tpu.memory_space<semaphore_mem>>)
      %add3A_23 = arith.constant 152 : i32
      %add3A_24 = arith.addi %add3A_17, %add3A_23 : i32
      %dma_start3A_25 = arith.constant 0 : i32
      %dma_start3A_26 = tpu.memref_slice %arg3[%add3A_24, %dma_start3A_25] : memref<16384x128xf32, #tpu.memory_space<hbm>> -> memref<152x128xf32, #tpu.memory_space<hbm>>
      %dma_start3A_27 = arith.constant 0 : i32
      %dma_start3A_28 = tpu.memref_slice %arg3[%add3A_24, %dma_start3A_27] : memref<16384x128xf32, #tpu.memory_space<hbm>> -> memref<152x128xf32, #tpu.memory_space<hbm>>
      tpu.enqueue_dma source(%arg5 : memref<152x128xf32, #tpu.memory_space<vmem>>) target(%dma_start3A_28 : memref<152x128xf32, #tpu.memory_space<hbm>>) target_semaphore(%arg8 : memref<!tpu.dma_semaphore, #tpu.memory_space<semaphore_mem>>)
      %add3A_29 = arith.constant 304 : i32
      %add3A_30 = arith.addi %add3A_17, %add3A_29 : i32
      %dma_start3A_31 = arith.constant 0 : i32
      %dma_start3A_32 = tpu.memref_slice %arg3[%add3A_30, %dma_start3A_31] : memref<16384x128xf32, #tpu.memory_space<hbm>> -> memref<152x128xf32, #tpu.memory_space<hbm>>
      %dma_start3A_33 = arith.constant 0 : i32
      %dma_start3A_34 = tpu.memref_slice %arg3[%add3A_30, %dma_start3A_33] : memref<16384x128xf32, #tpu.memory_space<hbm>> -> memref<152x128xf32, #tpu.memory_space<hbm>>
      tpu.enqueue_dma source(%arg5 : memref<152x128xf32, #tpu.memory_space<vmem>>) target(%dma_start3A_34 : memref<152x128xf32, #tpu.memory_space<hbm>>) target_semaphore(%arg8 : memref<!tpu.dma_semaphore, #tpu.memory_space<semaphore_mem>>)
      %add3A_35 = arith.constant 456 : i32
      %add3A_36 = arith.addi %add3A_17, %add3A_35 : i32
      %dma_start3A_37 = arith.constant 0 : i32
      %dma_start3A_38 = tpu.memref_slice %arg3[%add3A_36, %dma_start3A_37] : memref<16384x128xf32, #tpu.memory_space<hbm>> -> memref<152x128xf32, #tpu.memory_space<hbm>>
      %dma_start3A_39 = arith.constant 0 : i32
      %dma_start3A_40 = tpu.memref_slice %arg3[%add3A_36, %dma_start3A_39] : memref<16384x128xf32, #tpu.memory_space<hbm>> -> memref<152x128xf32, #tpu.memory_space<hbm>>
      tpu.enqueue_dma source(%arg5 : memref<152x128xf32, #tpu.memory_space<vmem>>) target(%dma_start3A_40 : memref<152x128xf32, #tpu.memory_space<hbm>>) target_semaphore(%arg8 : memref<!tpu.dma_semaphore, #tpu.memory_space<semaphore_mem>>)
      %add3A_41 = arith.constant 608 : i32
      %add3A_42 = arith.addi %add3A_17, %add3A_41 : i32
      %dma_start3A_43 = arith.constant 0 : i32
      %dma_start3A_44 = tpu.memref_slice %arg3[%add3A_42, %dma_start3A_43] : memref<16384x128xf32, #tpu.memory_space<hbm>> -> memref<152x128xf32, #tpu.memory_space<hbm>>
      %dma_start3A_45 = arith.constant 0 : i32
      %dma_start3A_46 = tpu.memref_slice %arg3[%add3A_42, %dma_start3A_45] : memref<16384x128xf32, #tpu.memory_space<hbm>> -> memref<152x128xf32, #tpu.memory_space<hbm>>
      tpu.enqueue_dma source(%arg5 : memref<152x128xf32, #tpu.memory_space<vmem>>) target(%dma_start3A_46 : memref<152x128xf32, #tpu.memory_space<hbm>>) target_semaphore(%arg8 : memref<!tpu.dma_semaphore, #tpu.memory_space<semaphore_mem>>)
      %add3A_47 = arith.constant 760 : i32
      %add3A_48 = arith.addi %add3A_17, %add3A_47 : i32
      %dma_start3A_49 = arith.constant 0 : i32
      %dma_start3A_50 = tpu.memref_slice %arg3[%add3A_48, %dma_start3A_49] : memref<16384x128xf32, #tpu.memory_space<hbm>> -> memref<152x128xf32, #tpu.memory_space<hbm>>
      %dma_start3A_51 = arith.constant 0 : i32
      %dma_start3A_52 = tpu.memref_slice %arg3[%add3A_48, %dma_start3A_51] : memref<16384x128xf32, #tpu.memory_space<hbm>> -> memref<152x128xf32, #tpu.memory_space<hbm>>
      tpu.enqueue_dma source(%arg5 : memref<152x128xf32, #tpu.memory_space<vmem>>) target(%dma_start3A_52 : memref<152x128xf32, #tpu.memory_space<hbm>>) target_semaphore(%arg8 : memref<!tpu.dma_semaphore, #tpu.memory_space<semaphore_mem>>)
      %dma_wait3A = arith.constant 0 : i32
      %dma_wait3A_53 = tpu.memref_slice %arg3[%add3A_19, %dma_wait3A] : memref<16384x128xf32, #tpu.memory_space<hbm>> -> memref<152x128xf32, #tpu.memory_space<hbm>>
      %dma_wait3A_54 = arith.constant 0 : i32
      %dma_wait3A_55 = tpu.memref_slice %arg3[%add3A_19, %dma_wait3A_54] : memref<16384x128xf32, #tpu.memory_space<hbm>> -> memref<152x128xf32, #tpu.memory_space<hbm>>
      tpu.wait_dma2 semaphore(%arg8 : memref<!tpu.dma_semaphore, #tpu.memory_space<semaphore_mem>>) src(%arg5 : memref<152x128xf32, #tpu.memory_space<vmem>>) dst(%dma_wait3A_55 : memref<152x128xf32, #tpu.memory_space<hbm>>)
      %dma_wait3A_56 = arith.constant 0 : i32
      %dma_wait3A_57 = tpu.memref_slice %arg3[%add3A_24, %dma_wait3A_56] : memref<16384x128xf32, #tpu.memory_space<hbm>> -> memref<152x128xf32, #tpu.memory_space<hbm>>
      %dma_wait3A_58 = arith.constant 0 : i32
      %dma_wait3A_59 = tpu.memref_slice %arg3[%add3A_24, %dma_wait3A_58] : memref<16384x128xf32, #tpu.memory_space<hbm>> -> memref<152x128xf32, #tpu.memory_space<hbm>>
      tpu.wait_dma2 semaphore(%arg8 : memref<!tpu.dma_semaphore, #tpu.memory_space<semaphore_mem>>) src(%arg5 : memref<152x128xf32, #tpu.memory_space<vmem>>) dst(%dma_wait3A_59 : memref<152x128xf32, #tpu.memory_space<hbm>>)
      %dma_wait3A_60 = arith.constant 0 : i32
      %dma_wait3A_61 = tpu.memref_slice %arg3[%add3A_30, %dma_wait3A_60] : memref<16384x128xf32, #tpu.memory_space<hbm>> -> memref<152x128xf32, #tpu.memory_space<hbm>>
      %dma_wait3A_62 = arith.constant 0 : i32
      %dma_wait3A_63 = tpu.memref_slice %arg3[%add3A_30, %dma_wait3A_62] : memref<16384x128xf32, #tpu.memory_space<hbm>> -> memref<152x128xf32, #tpu.memory_space<hbm>>
      tpu.wait_dma2 semaphore(%arg8 : memref<!tpu.dma_semaphore, #tpu.memory_space<semaphore_mem>>) src(%arg5 : memref<152x128xf32, #tpu.memory_space<vmem>>) dst(%dma_wait3A_63 : memref<152x128xf32, #tpu.memory_space<hbm>>)
      %dma_wait3A_64 = arith.constant 0 : i32
      %dma_wait3A_65 = tpu.memref_slice %arg3[%add3A_36, %dma_wait3A_64] : memref<16384x128xf32, #tpu.memory_space<hbm>> -> memref<152x128xf32, #tpu.memory_space<hbm>>
      %dma_wait3A_66 = arith.constant 0 : i32
      %dma_wait3A_67 = tpu.memref_slice %arg3[%add3A_36, %dma_wait3A_66] : memref<16384x128xf32, #tpu.memory_space<hbm>> -> memref<152x128xf32, #tpu.memory_space<hbm>>
      tpu.wait_dma2 semaphore(%arg8 : memref<!tpu.dma_semaphore, #tpu.memory_space<semaphore_mem>>) src(%arg5 : memref<152x128xf32, #tpu.memory_space<vmem>>) dst(%dma_wait3A_67 : memref<152x128xf32, #tpu.memory_space<hbm>>)
      %dma_wait3A_68 = arith.constant 0 : i32
      %dma_wait3A_69 = tpu.memref_slice %arg3[%add3A_42, %dma_wait3A_68] : memref<16384x128xf32, #tpu.memory_space<hbm>> -> memref<152x128xf32, #tpu.memory_space<hbm>>
      %dma_wait3A_70 = arith.constant 0 : i32
      %dma_wait3A_71 = tpu.memref_slice %arg3[%add3A_42, %dma_wait3A_70] : memref<16384x128xf32, #tpu.memory_space<hbm>> -> memref<152x128xf32, #tpu.memory_space<hbm>>
      tpu.wait_dma2 semaphore(%arg8 : memref<!tpu.dma_semaphore, #tpu.memory_space<semaphore_mem>>) src(%arg5 : memref<152x128xf32, #tpu.memory_space<vmem>>) dst(%dma_wait3A_71 : memref<152x128xf32, #tpu.memory_space<hbm>>)
      %dma_wait3A_72 = arith.constant 0 : i32
      %dma_wait3A_73 = tpu.memref_slice %arg3[%add3A_48, %dma_wait3A_72] : memref<16384x128xf32, #tpu.memory_space<hbm>> -> memref<152x128xf32, #tpu.memory_space<hbm>>
      %dma_wait3A_74 = arith.constant 0 : i32
      %dma_wait3A_75 = tpu.memref_slice %arg3[%add3A_48, %dma_wait3A_74] : memref<16384x128xf32, #tpu.memory_space<hbm>> -> memref<152x128xf32, #tpu.memory_space<hbm>>
      tpu.wait_dma2 semaphore(%arg8 : memref<!tpu.dma_semaphore, #tpu.memory_space<semaphore_mem>>) src(%arg5 : memref<152x128xf32, #tpu.memory_space<vmem>>) dst(%dma_wait3A_75 : memref<152x128xf32, #tpu.memory_space<hbm>>)
    } else {
    }
    return
  }
}

module attributes {stable_mosaic.version = 14 : i64} {
  func.func @_edge_tc(%arg0: memref<2x320000xi32, #tpu.memory_space<vmem>>, %arg1: memref<2x524288xi32, #tpu.memory_space<vmem>>, %arg2: memref<16384xi32, #tpu.memory_space<vmem>>, %arg3: memref<524288xi32, #tpu.memory_space<vmem>>, %arg4: memref<2xi32, #tpu.memory_space<smem>>, %arg5: memref<2xi32, #tpu.memory_space<smem>>) attributes {dimension_semantics = [], scalar_prefetch = 0 : i64, scratch_operands = 0 : i64, tpu.core_type = #tpu.core_type<tc>} {
    %get3A = arith.constant 0 : index
    %get3A_0 = arith.constant 0 : index
    %get3A_1 = vector.load %arg0[%get3A, %get3A_0] : memref<2x320000xi32, #tpu.memory_space<vmem>>, vector<2x320000xi32>
    %swap3A = arith.constant 0 : index
    %swap3A_2 = arith.constant 0 : index
    %swap3A_3 = vector.load %arg1[%swap3A, %swap3A_2] : memref<2x524288xi32, #tpu.memory_space<vmem>>, vector<2x320000xi32>
    tpu.vector_store %arg1[%swap3A, %swap3A_2], %get3A_1 {strides = array<i32>} : memref<2x524288xi32, #tpu.memory_space<vmem>>, vector<2x320000xi32>,
    %broadcast_in_dim3A = arith.constant 10000 : i32
    %broadcast_in_dim3A_4 = vector.broadcast %broadcast_in_dim3A : i32 to vector<2x204288xi32>
    %swap3A_5 = arith.constant 0 : index
    %swap3A_6 = arith.constant 320000 : index
    %swap3A_7 = vector.load %arg1[%swap3A_5, %swap3A_6] : memref<2x524288xi32, #tpu.memory_space<vmem>>, vector<2x204288xi32>
    tpu.vector_store %arg1[%swap3A_5, %swap3A_6], %broadcast_in_dim3A_4 {strides = array<i32>} : memref<2x524288xi32, #tpu.memory_space<vmem>>, vector<2x204288xi32>,
    %iota3A = tpu.iota {dimensions = array<i32: 1>} : vector<1x16384xi32>
    %iota3A_8 = vector.shape_cast %iota3A : vector<1x16384xi32> to vector<16384xi32>
    %lt3A = arith.constant 10000 : i32
    %lt3A_9 = vector.broadcast %lt3A : i32 to vector<16384xi32>
    %lt3A_10 = arith.cmpi slt, %iota3A_8, %lt3A_9 : vector<16384xi32>
    %swap3A_11 = arith.constant 0 : index
    %swap3A_12 = vector.load %arg2[%swap3A_11] : memref<16384xi32, #tpu.memory_space<vmem>>, vector<16384xi32>
    %swap3A_13 = arith.extui %lt3A_10 : vector<16384xi1> to vector<16384xi32>
    %swap3A_14 = arith.constant dense<0> : vector<16384xi32>
    %swap3A_15 = arith.cmpi ne, %swap3A_12, %swap3A_14 : vector<16384xi32>
    tpu.vector_store %arg2[%swap3A_11], %swap3A_13 {strides = array<i32>} : memref<16384xi32, #tpu.memory_space<vmem>>, vector<16384xi32>,
    %iota3A_16 = tpu.iota {dimensions = array<i32: 1>} : vector<1x524288xi32>
    %iota3A_17 = vector.shape_cast %iota3A_16 : vector<1x524288xi32> to vector<524288xi32>
    %lt3A_18 = arith.constant 320000 : i32
    %lt3A_19 = vector.broadcast %lt3A_18 : i32 to vector<524288xi32>
    %lt3A_20 = arith.cmpi slt, %iota3A_17, %lt3A_19 : vector<524288xi32>
    %swap3A_21 = arith.constant 0 : index
    %swap3A_22 = vector.load %arg3[%swap3A_21] : memref<524288xi32, #tpu.memory_space<vmem>>, vector<524288xi32>
    %swap3A_23 = arith.extui %lt3A_20 : vector<524288xi1> to vector<524288xi32>
    %swap3A_24 = arith.constant dense<0> : vector<524288xi32>
    %swap3A_25 = arith.cmpi ne, %swap3A_22, %swap3A_24 : vector<524288xi32>
    tpu.vector_store %arg3[%swap3A_21], %swap3A_23 {strides = array<i32>} : memref<524288xi32, #tpu.memory_space<vmem>>, vector<524288xi32>,
    %swap3A_26 = arith.constant 10000 : i32
    %swap3A_27 = arith.constant 0 : index
    %swap3A_28 = memref.load %arg4[%swap3A_27] : memref<2xi32, #tpu.memory_space<smem>>
    memref.store %swap3A_26, %arg4[%swap3A_27] : memref<2xi32, #tpu.memory_space<smem>>
    %swap3A_29 = arith.constant 6384 : i32
    %swap3A_30 = arith.constant 1 : index
    %swap3A_31 = memref.load %arg4[%swap3A_30] : memref<2xi32, #tpu.memory_space<smem>>
    memref.store %swap3A_29, %arg4[%swap3A_30] : memref<2xi32, #tpu.memory_space<smem>>
    %swap3A_32 = arith.constant 320000 : i32
    %swap3A_33 = arith.constant 0 : index
    %swap3A_34 = memref.load %arg5[%swap3A_33] : memref<2xi32, #tpu.memory_space<smem>>
    memref.store %swap3A_32, %arg5[%swap3A_33] : memref<2xi32, #tpu.memory_space<smem>>
    %swap3A_35 = arith.constant 204288 : i32
    %swap3A_36 = arith.constant 1 : index
    %swap3A_37 = memref.load %arg5[%swap3A_36] : memref<2xi32, #tpu.memory_space<smem>>
    memref.store %swap3A_35, %arg5[%swap3A_36] : memref<2xi32, #tpu.memory_space<smem>>
    return
  }
}

</mosaic_0001>

<sc_bundles>
// kernel: kernel.4.cloned.1.call-start
scs
__scs_entry_jumppad:
0x0: {  	(pc) =	sbr.rel $0x88, $3  }
0x1: {  	(tag) =	ssettag $0x0;
	lr =	simm.s32 $0x1  }
0x2: {  	[smem:$0x3F9F] =	sst lr;
	_ =	strace $0xD0000000  }
0x3: {  	_ = 	snop  }
0x4: {  	_ = 	snop  }
0x5: {  	_ = 	snop  }
0x6: {  	_ = 	snop  }
0x7: {  	_ = 	snop  }
__scs_overlays_trampoline_lowered:
0x8: {  	[smem:$0x3FAE] =	sst s0  }
0x9: {  	[smem:$0x3FAF] =	sst s1  }
0xa: {  	[smem:$0x3FB0] =	sst s2  }
0xb: {  	[smem:$0x3FB1] =	sst s3  }
0xc: {  	[smem:$0x3FB2] =	sst s4  }
0xd: {  	[smem:$0x3FB3] =	sst s5  }
0xe: {  	[smem:$0x3FB4] =	sst s6  }
0xf: {  	[smem:$0x3FB5] =	sst s7  }
0x10: {  	[smem:$0x3FB6] =	sst s8  }
0x11: {  	[smem:$0x3FB7] =	sst s9;
	s0 =	simm.s32 @!p0 $0x0  }
0x12: {  	s1 =	sld [smem:$0x3F9D];
	s0 =	simm.s32 @p0 $0x1  }
0x13: {  	[smem:$0x3FB8] =	sst s0;
	s0 =	simm.s32 @!p1 $0x0  }
0x14: {  	s2 =	sld [smem:$0x3F9C];
	s0 =	simm.s32 @p1 $0x1  }
0x15: {  	[smem:$0x3FB9] =	sst s0;
	s0 =	simm.s32 @!p2 $0x0  }
0x16: {  	s3 =	sld [smem:$0x3FDB];
	s0 =	simm.s32 @p2 $0x1  }
0x17: {  	s4 =	simm.s32 $0x1BF5;
	[smem:$0x3FBB] =	sst s0  }
0x18: {  	s0 =	sld [smem:$0x3F9E];
	_ =	swait.ge [sflag:s4], $0x0  }
0x19: {  	s7 =	sld [smem:$0x3F9F]  }
0x1a: {  	s8 =	sadd.s32 $0xFFFFE003, lr  }
0x1b: {  	s9 =	sadd.s32 $0xFFFFFEF7, lr;
	s5 =	simm.s32 $0xFFFFFFFF;
	p2 =	slt.u32 s8, $0xFFFFF086  }
0x1c: {  	p1 =	slt.u32 s9, $0xF7A;
	s5 =	simm.s32 @!p2 $0x0  }
0x1d: {  	s5 =	simm.s32 @p1 $0x1;
	p0 =	seq.s32 s7, s2  }
0x1e: {  	s7 =	smul.u32 @!p0 $0xF7A, s2;
	p2 =	seq.s32 @!p0 s5, $0x0  }
0x1f: {  	s9 =	smul.u32 $0xF7A, s1;
	s8 =	simm.s32 @!p0 $0x1BF5;
	p2 =	por !p2, p0  }
0x20: {  	[sflag:s8] =	ssyncset.s32 @!p0 $0xFFFFF086;
	s6 =	sadd.s32 @!p0 s3, s7;
	s7 =	simm.s32 @!p0 $0x108  }
0x21: {  	s3 =	sadd.s32 s3, s9;
	s6 =	sadd.s32 @!p0 $0x88, s6;
	s7 =	simm.s32 @p2 $0x1082  }
0x22: {  	[simem:s7], [sflag:s8] =	dma.local @!p0 [hbm:s6], $0xF7A  }
0x23: {  	s9 =	sor.u32 $0xD0000000, s2;
	s6 =	simm.s32 $0x108;
	_ =	swait.ge @!p0 [sflag:s8], $0x0  }
0x24: {  	s3 =	sadd.s32 $0x88, s3;
	s6 =	simm.s32 @!p1 $0x1082;
	[sflag:s4] =	ssyncset.s32 $0xFFFFF086  }
0x25: {  	[simem:s6], [sflag:s4] =	dma.local [hbm:s3], $0xF7A  }
0x26: {  	[smem:$0x3F9F] =	sst s1;
	(tag) =	ssettag s2;
	_ =	strace s9  }
0x27: {  	s1 =	sld [smem:$0x3FAF]  }
0x28: {  	s2 =	sld [smem:$0x3FB0]  }
0x29: {  	s4 =	sld [smem:$0x3FB2]  }
0x2a: {  	p0 =	seq.s32 s5, $0x0;
	s5 =	sld [smem:$0x3FB3]  }
0x2b: {  	s6 =	sld [smem:$0x3FB4]  }
0x2c: {  	s7 =	sld [smem:$0x3FB5]  }
0x2d: {  	s3 =	simm.s32 $0x108;
	s8 =	sld [smem:$0x3FB6]  }
0x2e: {  	s3 =	simm.s32 @!p0 $0x1082;
	s9 =	sld [smem:$0x3FB7]  }
0x2f: {  	lr =	sadd.s32 s0, s3;
	s0 =	sld [smem:$0x3FAE]  }
0x30: {  	s3 =	sld [smem:$0x3FB1]  }
0x31: {  	[smem:$0x3FBA] =	sst s10  }
0x32: {  	s10 =	sld [smem:$0x3FB8];
	_ =	sdelay $0x3  }
0x33: {  	p0 =	seq.s32 s10, $0x1;
	s10 =	sld [smem:$0x3FBA];
	_ =	sdelay $0x3  }
0x34: {  	[smem:$0x3FBA] =	sst s10  }
0x35: {  	s10 =	sld [smem:$0x3FB9];
	_ =	sdelay $0x3  }
0x36: {  	p1 =	seq.s32 s10, $0x1;
	s10 =	sld [smem:$0x3FBA];
	_ =	sdelay $0x3  }
0x37: {  	[smem:$0x3FBA] =	sst s10  }
0x38: {  	s10 =	sld [smem:$0x3FBB]  }
0x39: {  	_ = 	snop;
	(pc) =	sbr.ind lr, $3  }
0x3a: {  	_ = 	snop  }
0x3b: {  	_ = 	snop  }
0x3c: {  	p2 =	seq.s32 s10, $0x1;
	s10 =	sld [smem:$0x3FBA]  }
0x3d: {  	_ =	shalt  }
0x3e: {  	_ =	shalt  }
0x3f: {  	_ =	shalt  }
0x40: {  	_ =	shalt  }
0x41: {  	_ =	shalt  }
0x42: {  	_ =	shalt  }
0x43: {  	_ =	shalt  }
0x44: {  	_ =	shalt  }
0x45: {  	_ =	shalt  }
0x46: {  	_ =	shalt  }
0x47: {  	_ =	shalt  }
0x48: {  	_ =	shalt  }
0x49: {  	_ =	shalt  }
0x4a: {  	_ =	shalt  }
0x4b: {  	_ =	shalt  }
0x4c: {  	_ =	shalt  }
0x4d: {  	_ =	shalt  }
0x4e: {  	_ =	shalt  }
0x4f: {  	_ =	shalt  }
0x50: {  	_ =	shalt  }
0x51: {  	_ =	shalt  }
0x52: {  	_ =	shalt  }
0x53: {  	_ =	shalt  }
0x54: {  	_ =	shalt  }
0x55: {  	_ =	shalt  }
0x56: {  	_ =	shalt  }
0x57: {  	_ =	shalt  }
0x58: {  	_ =	shalt  }
0x59: {  	_ =	shalt  }
0x5a: {  	_ =	shalt  }
0x5b: {  	_ =	shalt  }
0x5c: {  	_ =	shalt  }
0x5d: {  	_ =	shalt  }
0x5e: {  	_ =	shalt  }
0x5f: {  	_ =	shalt  }
0x60: {  	_ =	shalt  }
0x61: {  	_ =	shalt  }
0x62: {  	_ =	shalt  }
0x63: {  	_ =	shalt  }
0x64: {  	_ =	shalt  }
0x65: {  	_ =	shalt  }
0x66: {  	_ =	shalt  }
0x67: {  	_ =	shalt  }
0x68: {  	_ =	shalt  }
0x69: {  	_ =	shalt  }
0x6a: {  	_ =	shalt  }
0x6b: {  	_ =	shalt  }
0x6c: {  	_ =	shalt  }
0x6d: {  	_ =	shalt  }
0x6e: {  	_ =	shalt  }
0x6f: {  	_ =	shalt  }
0x70: {  	_ =	shalt  }
0x71: {  	_ =	shalt  }
0x72: {  	_ =	shalt  }
0x73: {  	_ =	shalt  }
0x74: {  	_ =	shalt  }
0x75: {  	_ =	shalt  }
0x76: {  	_ =	shalt  }
0x77: {  	_ =	shalt  }
0x78: {  	_ =	shalt  }
0x79: {  	_ =	shalt  }
0x7a: {  	_ =	shalt  }
0x7b: {  	_ =	shalt  }
0x7c: {  	_ =	shalt  }
0x7d: {  	_ =	shalt  }
0x7e: {  	_ =	shalt  }
0x7f: {  	_ =	shalt  }
0x80: {  	_ =	shalt  }
0x81: {  	_ =	shalt  }
0x82: {  	_ =	shalt  }
0x83: {  	_ =	shalt  }
0x84: {  	_ =	shalt  }
0x85: {  	_ =	shalt  }
0x86: {  	_ =	shalt  }
0x87: {  	_ =	shalt  }
.Lfunc_end0:
.L_simem_size_0:
called_computation_lowered:
.L_overlay_start_0:
0x88: {  	s2 =	sld [smem:$0x3FD9]  }
0x89: {  	s3 =	sld [smem:$0x3FFE];
	_ =	sdelay $0x1  }
0x8a: {  	s1 =	srdreg.scid  }
0x8b: {  	s0 =	sand.u32 $0x1, s1  }
0x8c: {  	s15 =	sshll.u32 s0, $0xA;
	s2 =	sadd.s32 s3, s2  }
0x8d: {  	s2 =	sadd.s32 s2, s15  }
0x8e: {  	[smem:$0x3FC6] =	sst s2  }
0x8f: {  	_ = 	snop  }
0x90: {  	s2 =	sld [smem:$0x3FD0];
	_ =	sdelay $0x2  }
0x91: {  	s4 =	simm.s32 $0xA;
	s5 =	simm.s32 $0x10;
	s16 =	sld [smem:$0x3FC9]  }
0x92: {  	[smem:s5], [sflag:s4] =	dma.local [hbm:s2], $0x1  }
0x93: {  	_ =	swait.eq [sflag:s4], $0x1  }
0x94: {  	[sflag:s4] =	ssyncset.done $0x0  }
0x95: {  	[sflag:s4] =	ssyncadd.s32 $0xFFFFFFFF  }
0x96: {  	s17 =	sld [smem:$0x10];
	(tm) =	ssettm $0x1  }
0x97: {  	s18 =	sld [smem:$0x3FFB];
	_ =	sdelay $0x3  }
0x98: {  	_ =	strace s18  }
0x99: {  	s4 =	sld [smem:$0x3FFC];
	_ =	sdelay $0x3  }
0x9a: {  	_ =	strace s4  }
0x9b: {  	s4 =	sld [smem:$0x3FFD];
	_ =	sdelay $0x3  }
0x9c: {  	_ =	strace s4  }
0x9d: {  	_ =	strace $0x8FFFFFFF  }
0x9e: {  	s19 =	sld [smem:$0x3FDB];
	_ =	sdelay $0x1  }
0x9f: {  	s20 =	simm.s32 $_scs_section_size  }
0xa0: {  	s6 =	simm.s32 $_size__tile_overlayer_lowered;
	s7 =	simm.s32 $_tile_overlayer_lowered  }
0xa1: {  	s23 =	simm.s32 $0x1BFF;
	s22 =	sshll.u32 s7, $0x1;
	s4 =	sadd.s32 s20, s19  }
0xa2: {  	s8 =	simm.s32 $0x0;
	s21 =	sshll.u32 s6, $0x1;
	s6 =	sadd.s32 s22, s4  }
0xa3: {  	[timem:s8], [sflag:s23] =	dma.local [hbm:s6], s21  }
0xa4: {  	_ =	swait.ge [sflag:s23], s21  }
0xa5: {  	s5 =	ssub.s32 $0x0, s21;
	[sflag:s23] =	ssyncset.done $0x0  }
0xa6: {  	[sflag:s23] =	ssyncadd.s32 s5;
	_ =	sdelay $0x1  }
0xa7: {  	s24 =	simm.s32 $0x1B8B  }
0xa8: {  	_ =	swait.ge [sflag:s24], $0x1  }
0xa9: {  	[sflag:s24] =	ssyncset.done $0x0  }
0xaa: {  	s25 =	simm.s32 $0x1B8E;
	[sflag:s24] =	ssyncadd.s32 $0xFFFFFFFF  }
0xab: {  	s26 =	simm.s32 $execute0_lowered;
	[smem:$0x3FD2] =	sst s25  }
0xac: {  	s5 =	sshll.u32 s26, $0x1;
	_ =	strace $0x80000046;
	[dreg:$0x1] =	wrdreg $0xFFFFFFFF  }
0xad: {  	s28 =	simm.s32 $_size_execute0_lowered;
	s4 =	sadd.s32 s4, s5;
	[dreg:$0x0] =	wrdreg $0x0  }
0xae: {  	s5 =	sshll.u32 s28, $0x1;
	[dreg:$0x2] =	wrdreg s4  }
0xaf: {  	[dreg:$0x3] =	wrdreg s5  }
0xb0: {  	[dreg:$0x4] =	wrdreg $0xC0  }
0xb1: {  	_ =	task [dreg:s8], $0x5FFFF  }
0xb2: {  	[dreg:$0x1] =	wrdreg $0xFFFFFFFF  }
0xb3: {  	[dreg:$0x0] =	wrdreg $0x60  }
0xb4: {  	[dreg:$0x2] =	wrdreg s16  }
0xb5: {  	[dreg:$0x3] =	wrdreg s17  }
0xb6: {  	[dreg:$0x4] =	wrdreg $0x9  }
0xb7: {  	_ =	task.clear_ibuf [dreg:s8], $0x5FFFF;
	_ =	strace $0x90000046  }
0xb8: {  	s29 =	simm.s32 $0x9;
	_ =	strace $0x80000048  }
0xb9: {  	_ =	swait.ge [sflag:s29], $0x1  }
0xba: {  	[sflag:s29] =	ssyncadd.s32 $0xFFFFFFFF  }
0xbb: {  	_ =	strace $0x90000048  }
0xbc: {  	_ =	sfence  }
0xbd: {  	s30 =	sld [smem:$0x0];
	_ =	sdelay $0x2  }
0xbe: {  	s31 =	sshll.u32 s1, $0xD;
	s1 =	sshrl.u32 s1, $0x2  }
0xbf: {  	s3 =	sand.u32 $0x4000, s31;
	s1 =	sadd.s32 s1, s30  }
0xc0: {  	s0 =	sor.u32 s3, s0;
	s1 =	sshll.u32 s1, $0x11  }
0xc1: {  	s0 =	sor.u32 s1, s0  }
0xc2: {  	s0 =	sadd.s32 $0x8F2B, s0  }
0xc3: {  	[sflag:s0] =	ssyncadd.remote.s32 $0x1  }
0xc4: {  	_ =	sfence.sel $0xFFFF  }
0xc5: {  	[dreg:$0x0] =	wrdreg $0xFFFFFFFF;
	(pc) =	sbr.abs _section_cstart, $3  }
0xc6: {  	[dreg:$0x1] =	wrdreg $0xFFFFFFFF  }
0xc7: {  	_ =	task.clear_ibuf [dreg:s8], $0x2FFFF;
	_ =	strace $0x9FFFFFFF  }
0xc8: {  	(tm) =	ssettm $0x7FFFFFFF  }
0xc9: {  	_ =	shalt  }
tec
execute0_lowered:
.L_overlay_start_1:
0x0: {  	(tag) =	ssettag $0x1  }
0x1: {  	s10 =	rddreg [dreg:$0x0];
	s1 =	srdreg.scid  }
0x2: {  	s0 =	stileid.u32;
	s12 =	rddreg [dreg:$0x1];
	s17 =	simm.s32 $0x3  }
0x3: {  	s18 =	simm.s32 $0xC800;
	s3 =	sand.u32 $0x1, s1;
	s2 =	sshll.u32 s0, $0x1  }
0x4: {  	s19 =	simm.s32 $0x0;
	s1 =	rddreg [dreg:$0x2];
	s14 =	sor.u32 s3, s2  }
0x5: {  	s2 =	simm.s32 $0x0;
	s3 =	ssub.s32 $0x2, s3;
	s7 =	smul.u32 $0x1C800, s14  }
0x6: {  	[smem:$0x7FF] =	sst s2;
	s4 =	sshrl.u32 s3, $0x1;
	s9 =	smul.u32 $0xC800, s14  }
0x7: {  	s15 =	smul.u32 $0x1900, s14;
	p0 =	sgt.u32 s14, $0x18;
	_ =	strace $0x80000047  }
0x8: {  	s14 =	simm.s32 $0x6400;
	s30 =	sadd.s32 $0xFFE70000, s7;
	s31 =	sadd.s32 $0xFFE74C00, s7  }
0x9: {  	s13 =	ssub.s32 s3, s4;
	s5 =	sadd.s32 $0xFFE79800, s7;
	s6 =	sadd.s32 $0xFFE7E400, s7  }
0xa: {  	s8 =	sadd.s32 $0xFFE83000, s7;
	s7 =	sadd.s32 $0xFFE87C00, s7;
	s9 =	sshrl.u32 s9, $0x3  }
0xb: {  	s13 =	smax.u32 s13, $0x1;
	s3 =	sshrl.u32 s30, $0x3;
	s4 =	sshrl.u32 s31, $0x3  }
0xc: {  	s5 =	sshrl.u32 s5, $0x3;
	s6 =	sshrl.u32 s6, $0x3;
	s8 =	sshrl.u32 s8, $0x3  }
.Ltmp0:
0xd: {  	s11 =	sshrl.u32 s7, $0x3;
	s16 =	sadd.s32 $0xC80, s9;
	(pc) =	sbr.rel .LBB2_1-.Ltmp0, $4  }
0xe: {  	s9 =	sadd.s32 s10, s15;
	s3 =	sadd.s32 s12, s3;
	s4 =	sadd.s32 s12, s4  }
0xf: {  	s5 =	sadd.s32 s12, s5;
	s6 =	sadd.s32 s12, s6;
	s7 =	sadd.s32 s12, s8  }
0x10: {  	s8 =	sadd.s32 s12, s11;
	s10 =	sadd.s32 s10, s16;
	s11 =	sadd.s32 s12, s15  }
0x11: {  	v0 =	vimm.f32 $0.0e+00;
	s12 =	sadd.s32 s12, s16;
	s15 =	simm.s32 $0x1;
	s16 =	simm.s32 $0x2  }
.LBB2_2:
0x12: {  	[tilespmem:s2], [sflag:$0x1] =	stream.linear.gather [hbm4b:s9+s2], $0x6400, $0x38;
	[tilespmem:$0x11400] =	vst v63  }
0x13: {  	_ = 	snop  }
0x14: {  	[tilespmem:s14], [sflag:$0x2] =	stream.linear.gather [hbm4b:s10+s2], $0x6400, $0x38;
	[tilespmem:$0x11400] =	vst v63  }
0x15: {  	_ =	swait.ge [sflag:s15], $0x6400  }
0x16: {  	[sflag:s15] =	ssyncset.done $0x0  }
0x17: {  	[sflag:s15] =	ssyncadd.s32 $0xFFFF9C00  }
0x18: {  	[hbm4b:s11+s2] =	stream.linear.scatter [tilespmem:s2], [sflag:$0x3], $0x6400, $0x38;
	[tilespmem:$0x11400] =	vst v63  }
0x19: {  	_ =	swait.ge [sflag:s16], $0x6400  }
0x1a: {  	[sflag:s16] =	ssyncset.done $0x0  }
0x1b: {  	[sflag:s16] =	ssyncadd.s32 $0xFFFF9C00  }
0x1c: {  	[hbm4b:s12+s2] =	stream.linear.scatter [tilespmem:s14], [sflag:$0x3], $0x6400, $0x38;
	[tilespmem:$0x11400] =	vst v63  }
0x1d: {  	_ =	swait.ge [sflag:s17], $0x6400  }
0x1e: {  	[sflag:s17] =	ssyncset.done $0x0  }
0x1f: {  	[sflag:s17] =	ssyncadd.s32 $0xFFFF9C00  }
0x20: {  	_ =	swait.ge [sflag:s17], $0x6400  }
0x21: {  	[sflag:s17] =	ssyncset.done $0x0  }
0x22: {  	[sflag:s17] =	ssyncadd.s32 $0xFFFF9C00  }
.LBB2_6:
0x23: {  	s19 =	sadd.s32 $0x1, s19  }
0x24: {  	p1 =	sne.s32 s19, s13  }
.Ltmp1:
0x25: {  	_ = 	snop;
	(pc) =	sbr.rel @!p1 .LBB2_7-.Ltmp1, $1  }
0x26: {  	_ =	sdelay $0x3  }
.LBB2_1:
.Ltmp2:
0x27: {  	(pc) =	sbr.rel @!p0 .LBB2_2-.Ltmp2, $1  }
0x28: {  	_ =	sdelay $0x3  }
0x29: {  	s20 =	sshra.s32 s2, $0x2;
	s21 =	sadd.s32 $0x200, s2  }
.LBB2_4:
0x2a: {  	p1 =	sne.s32 s21, $0x12E00;
	[tilespmem:s20+$0xC870] =	vst v0  }
0x2b: {  	[tilespmem:s20+$0xC800] =	vst v0  }
0x2c: {  	[tilespmem:s20+$0xC810] =	vst v0  }
.Ltmp3:
0x2d: {  	[tilespmem:s20+$0xC820] =	vst v0;
	(pc) =	sbr.rel @p1 .LBB2_4-.Ltmp3, $4  }
0x2e: {  	[tilespmem:s20+$0xC830] =	vst v0  }
0x2f: {  	[tilespmem:s20+$0xC840] =	vst v0  }
0x30: {  	[tilespmem:s20+$0xC850] =	vst v0  }
0x31: {  	[tilespmem:s20+$0xC860] =	vst v0;
	s20 =	sshra.s32 s21, $0x2;
	s21 =	sadd.s32 $0x200, s21  }
0x32: {  	[tilespmem:s20+$0xC870] =	vst v0  }
0x33: {  	[tilespmem:s20+$0xC800] =	vst v0  }
0x34: {  	[tilespmem:s20+$0xC810] =	vst v0  }
0x35: {  	[tilespmem:s20+$0xC820] =	vst v0  }
0x36: {  	[tilespmem:s20+$0xC830] =	vst v0  }
0x37: {  	[tilespmem:s20+$0xC840] =	vst v0  }
0x38: {  	[tilespmem:s20+$0xC850] =	vst v0  }
0x39: {  	[tilespmem:s20+$0xC860] =	vst v0  }
0x3a: {  	[hbm4b:s3+s2] =	stream.linear.scatter [tilespmem:s18], [sflag:$0x3], $0x4C00, $0x38;
	[tilespmem:$0x11400] =	vst v63  }
0x3b: {  	_ = 	snop  }
0x3c: {  	[hbm4b:s4+s2] =	stream.linear.scatter [tilespmem:s18], [sflag:$0x3], $0x4C00, $0x38;
	[tilespmem:$0x11400] =	vst v63  }
0x3d: {  	_ = 	snop  }
0x3e: {  	[hbm4b:s5+s2] =	stream.linear.scatter [tilespmem:s18], [sflag:$0x3], $0x4C00, $0x38;
	[tilespmem:$0x11400] =	vst v63  }
0x3f: {  	_ = 	snop  }
0x40: {  	[hbm4b:s6+s2] =	stream.linear.scatter [tilespmem:s18], [sflag:$0x3], $0x4C00, $0x38;
	[tilespmem:$0x11400] =	vst v63  }
0x41: {  	_ = 	snop  }
0x42: {  	[hbm4b:s7+s2] =	stream.linear.scatter [tilespmem:s18], [sflag:$0x3], $0x4C00, $0x38;
	[tilespmem:$0x11400] =	vst v63  }
0x43: {  	_ = 	snop  }
0x44: {  	[hbm4b:s8+s2] =	stream.linear.scatter [tilespmem:s18], [sflag:$0x3], $0x4C00, $0x38;
	[tilespmem:$0x11400] =	vst v63  }
0x45: {  	_ =	swait.ge [sflag:s17], $0x4C00  }
0x46: {  	[sflag:s17] =	ssyncset.done $0x0  }
0x47: {  	[sflag:s17] =	ssyncadd.s32 $0xFFFFB400  }
0x48: {  	_ =	swait.ge [sflag:s17], $0x4C00  }
0x49: {  	[sflag:s17] =	ssyncset.done $0x0  }
0x4a: {  	[sflag:s17] =	ssyncadd.s32 $0xFFFFB400  }
0x4b: {  	_ =	swait.ge [sflag:s17], $0x4C00  }
0x4c: {  	[sflag:s17] =	ssyncset.done $0x0  }
0x4d: {  	[sflag:s17] =	ssyncadd.s32 $0xFFFFB400  }
0x4e: {  	_ =	swait.ge [sflag:s17], $0x4C00  }
0x4f: {  	[sflag:s17] =	ssyncset.done $0x0  }
0x50: {  	[sflag:s17] =	ssyncadd.s32 $0xFFFFB400  }
0x51: {  	_ =	swait.ge [sflag:s17], $0x4C00  }
.Ltmp4:
0x52: {  	[sflag:s17] =	ssyncset.done $0x0;
	(pc) =	sbr.rel .LBB2_6-.Ltmp4, $4  }
0x53: {  	[sflag:s17] =	ssyncadd.s32 $0xFFFFB400  }
0x54: {  	_ =	swait.ge [sflag:s17], $0x4C00  }
0x55: {  	[sflag:s17] =	ssyncset.done $0x0  }
0x56: {  	[sflag:s17] =	ssyncadd.s32 $0xFFFFB400  }
.LBB2_7:
0x57: {  	_ =	sfence.sel $0x180000  }
0x58: {  	[bflag:$0x0] =	sbarrier.arrive $0xFFFF  }
0x59: {  	p0 =	sne.s32 s0, $0x0;
	_ =	strace $0x90000047  }
0x5a: {  	s0 =	sadd.s32 @!p0 $0x100000, s1;
	[bflag:$0x2] =	sbarrier.arrive $0xFFFF  }
0x5b: {  	[sflag:s0] =	ssyncadd.tile.s32 @!p0 $0x1;
	_ =	shalt  }
.Lfunc_end2:
_tile_overlayer_lowered:
.L_overlay_start_2:
0x5c: {  	(tag) =	ssettag $0x2  }
0x5d: {  	s0 =	rddreg [dreg:$0x0];
	s2 =	stileid.u32  }
0x5e: {  	s1 =	rddreg [dreg:$0x1];
	p0 =	sne.s32 s2, $0x0  }
0x5f: {  	s3 =	rddreg [dreg:$0x2];
	[bflag:$0x3] =	sbarrier.arrive $0xFFFF;
	s2 =	simm.s32 @!p0 $0x1C04  }
0x60: {  	[timem:s3], [sflag:s2] =	dma.local @!p0 [hbm:s0], s1  }
0x61: {  	s0 =	simm.s32 @!p0 $0x4  }
0x62: {  	_ =	swait.ge @!p0 [sflag:s0], s1  }
0x63: {  	s1 =	ssub.s32 @!p0 $0x0, s1;
	[sflag:s0] =	ssyncset.done @!p0 $0x0  }
0x64: {  	[sflag:s0] =	ssyncadd.s32 @!p0 s1  }
0x65: {  	[bflag:$0x3] =	sbarrier.arrive $0xFFFF  }
0x66: {  	_ =	shalt  }

</sc_bundles>
